<compile_context>
chip_gen: v7x
topology: tpu7x:2x2x1
jax: 0.10.2.dev20260603
libtpu: 0.0.44.dev20260713+nightly
codegen_flags: <defaults>
</compile_context>

<pallas_src>
import functools

import jax
import jax.numpy as jnp
from jax import lax
from jax.experimental import pallas as pl
from jax.experimental.pallas import tpu as pltpu
from jax.experimental.pallas import tpu_sc as plsc

N = 10000
E = 320000
D = 128

NC = 2
NS = 16
NW = NC * NS
N_PAD = 10240
EW = E // NW
CH = 80
NCHUNK = EW // CH
SL = N_PAD // NW
RPT = N // NS
BN = 2000

_LANES = 16


def _sc_mesh():
    return plsc.VectorSubcoreMesh(core_axis_name="c", subcore_axis_name="s")


def _degree_body(ei_hbm, parts_hbm, sidx2, didx2, hout_v, hin_v, sem):
    c = lax.axis_index("c")
    s = lax.axis_index("s")
    wid = c * NS + s
    ones = jnp.ones((_LANES,), jnp.float32)
    zeros = jnp.zeros((_LANES,), jnp.float32)

    pltpu.async_copy(ei_hbm.at[pl.ds(wid * NCHUNK, NCHUNK)], sidx2, sem)
    pltpu.async_copy(ei_hbm.at[pl.ds(E // CH + wid * NCHUNK, NCHUNK)],
                     didx2, sem)

    def zero_body(i, carry):
        hout_v[pl.ds(i * _LANES, _LANES)] = zeros
        hin_v[pl.ds(i * _LANES, _LANES)] = zeros
        return carry
    lax.fori_loop(0, N_PAD // _LANES, zero_body, 0)

    pltpu.make_async_copy(ei_hbm.at[pl.ds(wid * NCHUNK, NCHUNK)],
                          sidx2, sem).wait()
    pltpu.make_async_copy(ei_hbm.at[pl.ds(E // CH + wid * NCHUNK, NCHUNK)],
                          didx2, sem).wait()

    def acc_body(t, carry):
        r = t // (CH // _LANES)
        k = t % (CH // _LANES)
        plsc.addupdate_scatter(hout_v, [sidx2[r, pl.ds(k * _LANES, _LANES)]],
                               ones)
        plsc.addupdate_scatter(hin_v, [didx2[r, pl.ds(k * _LANES, _LANES)]],
                               ones)
        return carry
    lax.fori_loop(0, EW // _LANES, acc_body, 0)
    pltpu.sync_copy(hout_v, parts_hbm.at[wid])
    pltpu.sync_copy(hin_v, parts_hbm.at[NW + wid])


@jax.jit
def _degree_call(ei2d):
    f = functools.partial(
        pl.kernel,
        out_type=jax.ShapeDtypeStruct((2 * NW, N_PAD), jnp.float32),
        mesh=_sc_mesh(),
        scratch_types=[
            pltpu.VMEM((NCHUNK, CH), jnp.int32),
            pltpu.VMEM((NCHUNK, CH), jnp.int32),
            pltpu.VMEM((N_PAD,), jnp.float32),
            pltpu.VMEM((N_PAD,), jnp.float32),
            pltpu.SemaphoreType.DMA,
        ],
        compiler_params=pltpu.CompilerParams(
            needs_layout_passes=False, use_tc_tiling_on_sc=False),
    )(_degree_body)
    return f(ei2d)


def _norm_body(parts_hbm, deg2d_hbm, pbuf, acc, rowbuf, sem):
    c = lax.axis_index("c")
    s = lax.axis_index("s")
    wid = c * NS + s
    n0 = wid * SL
    zeros = jnp.zeros((_LANES,), jnp.float32)

    def load_body(t, carry):
        pltpu.async_copy(parts_hbm.at[t, pl.ds(n0, SL)], pbuf.at[t], sem)
        return carry
    lax.fori_loop(0, 2 * NW, load_body, 0)

    def wait_body(t, carry):
        pltpu.make_async_copy(parts_hbm.at[t, pl.ds(n0, SL)], pbuf.at[t], sem).wait()
        return carry
    lax.fori_loop(0, 2 * NW, wait_body, 0)

    for a in (0, 1):
        def zero_body(k, carry):
            acc[pl.ds(k * _LANES, _LANES)] = zeros
            return carry
        lax.fori_loop(0, SL // _LANES, zero_body, 0)

        def red_body(i, carry):
            t = i // (SL // _LANES)
            k = i % (SL // _LANES)
            acc[pl.ds(k * _LANES, _LANES)] = (
                acc[pl.ds(k * _LANES, _LANES)]
                + pbuf[a * NW + t, pl.ds(k * _LANES, _LANES)]
            )
            return carry
        lax.fori_loop(0, NW * (SL // _LANES), red_body, 0)

        def bcast_body(g, carry):
            vec16 = acc[pl.ds(g * _LANES, _LANES)]
            for j in range(_LANES):
                rowbuf[g * _LANES + j, pl.ds(0, _LANES)] = lax.broadcast(
                    vec16[j], (_LANES,))
            return carry
        lax.fori_loop(0, SL // _LANES, bcast_body, 0)
        pltpu.sync_copy(rowbuf,
                        deg2d_hbm.at[a, pl.ds(n0, SL), pl.ds(0, _LANES)])


@jax.jit
def _norm_call(parts):
    f = functools.partial(
        pl.kernel,
        out_type=jax.ShapeDtypeStruct((2, N_PAD, D), jnp.float32),
        mesh=_sc_mesh(),
        scratch_types=[
            pltpu.VMEM((2 * NW, SL), jnp.float32),
            pltpu.VMEM((SL,), jnp.float32),
            pltpu.VMEM((SL, _LANES), jnp.float32),
            pltpu.SemaphoreType.DMA,
        ],
        compiler_params=pltpu.CompilerParams(use_tc_tiling_on_sc=False),
    )(_norm_body)
    return f(parts)


_NBUF = 3


def _agg_body(x_hbm, ei_hbm, parts_hbm,
              sidx2d, didx2d, rows0, rows1, rows2, acc_sh,
              gsem0, gsem1, gsem2):
    c = lax.axis_index("c")
    s = lax.axis_index("s")
    wid = c * NS + s
    rows = (rows0, rows1, rows2)
    gsem = (gsem0, gsem1, gsem2)

    pltpu.async_copy(ei_hbm.at[pl.ds(wid * NCHUNK, NCHUNK)], sidx2d, gsem2)
    pltpu.async_copy(ei_hbm.at[pl.ds(E // CH + wid * NCHUNK, NCHUNK)],
                     didx2d, gsem2)

    zv = jnp.zeros((_LANES,), jnp.float32)

    def zero_body(i, carry):
        rows1[i // (D // _LANES),
              pl.ds((i % (D // _LANES)) * _LANES, _LANES)] = zv
        return carry
    lax.fori_loop(0, CH * (D // _LANES), zero_body, 0)
    _tail = RPT - (RPT // CH) * CH
    for k in range(RPT // CH):
        pltpu.async_copy(rows1, acc_sh.at[pl.ds(s * RPT + k * CH, CH)], gsem1)
    pltpu.async_copy(rows1.at[pl.ds(0, _tail)],
                     acc_sh.at[pl.ds(s * RPT + (RPT // CH) * CH, _tail)],
                     gsem1)

    def start(j, b):
        pltpu.async_copy(x_hbm.at[sidx2d.at[j]], rows[b], gsem[b])

    def wait(b):
        pltpu.make_async_copy(x_hbm.at[sidx2d.at[0]], rows[b], gsem[b]).wait()

    def scatter(j, b):
        pltpu.sync_copy(rows[b], acc_sh.at[didx2d.at[j]], add=True)

    pltpu.make_async_copy(
        ei_hbm.at[pl.ds(wid * NCHUNK, NCHUNK)], sidx2d, gsem2).wait()
    pltpu.make_async_copy(
        ei_hbm.at[pl.ds(E // CH + wid * NCHUNK, NCHUNK)], didx2d, gsem2).wait()
    start(0, 0)
    start(2, 2)
    for k in range(RPT // CH):
        pltpu.make_async_copy(
            rows1, acc_sh.at[pl.ds(s * RPT + k * CH, CH)], gsem1).wait()
    pltpu.make_async_copy(
        rows1.at[pl.ds(0, _tail)],
        acc_sh.at[pl.ds(s * RPT + (RPT // CH) * CH, _tail)], gsem1).wait()
    start(1, 1)
    plsc.subcore_barrier()

    def body(i, carry):
        for b in range(_NBUF):
            j = _NBUF * i + b
            wait(b)
            scatter(j, b)

            @pl.when(j + _NBUF < NCHUNK)
            def _():
                start(j + _NBUF, b)
        return carry
    lax.fori_loop(0, NCHUNK // _NBUF, body, 0)

    for r in range(_NBUF * (NCHUNK // _NBUF), NCHUNK):
        wait(r % _NBUF)
        scatter(r, r % _NBUF)

    plsc.subcore_barrier()
    pltpu.sync_copy(acc_sh.at[pl.ds(s * RPT, RPT)],
                    parts_hbm.at[c, pl.ds(s * RPT, RPT)])


@jax.jit
def _agg_call(x, ei2d):
    f = functools.partial(
        pl.kernel,
        out_type=jax.ShapeDtypeStruct((NC, N, D), jnp.float32),
        mesh=_sc_mesh(),
        scratch_types=[
            pltpu.VMEM((NCHUNK, CH), jnp.int32),
            pltpu.VMEM((NCHUNK, CH), jnp.int32),
            pltpu.VMEM((CH, D), jnp.float32),
            pltpu.VMEM((CH, D), jnp.float32),
            pltpu.VMEM((CH, D), jnp.float32),
            pltpu.VMEM_SHARED((N, D), jnp.float32),
            pltpu.SemaphoreType.DMA,
            pltpu.SemaphoreType.DMA,
            pltpu.SemaphoreType.DMA,
        ],
        compiler_params=pltpu.CompilerParams(use_tc_tiling_on_sc=False),
    )(_agg_body)
    return f(x, ei2d)


def _y0_body(feat_ref, w0_ref, y0_ref):
    y0_ref[...] = jnp.dot(feat_ref[...], w0_ref[...],
                          preferred_element_type=jnp.float32)


@jax.jit
def _y0_call(feat, W0):
    return pl.pallas_call(
        _y0_body,
        grid=(N // BN,),
        in_specs=[
            pl.BlockSpec((BN, D), lambda i: (i, 0)),
            pl.BlockSpec((D, D), lambda i: (0, 0)),
        ],
        out_specs=pl.BlockSpec((BN, D), lambda i: (i, 0)),
        out_shape=jax.ShapeDtypeStruct((N, D), jnp.float32),
    )(feat, W0)


def _scale_body(y0_ref, dout_ref, x0_ref):
    ns = lax.rsqrt(jnp.maximum(dout_ref[0][:, :1], 1.0))
    x0_ref[...] = y0_ref[...] * ns


@jax.jit
def _scale_call(y0, deg2d):
    return pl.pallas_call(
        _scale_body,
        grid=(N // BN,),
        in_specs=[
            pl.BlockSpec((BN, D), lambda i: (i, 0)),
            pl.BlockSpec((1, BN, D), lambda i: (0, i, 0)),
        ],
        out_specs=pl.BlockSpec((BN, D), lambda i: (i, 0)),
        out_shape=jax.ShapeDtypeStruct((N, D), jnp.float32),
    )(y0, deg2d)


def _mid_body(p0_ref, p1_ref, din_ref, dout_ref, b0_ref, alpha_ref, w1_ref,
              x1_ref, hg_ref):
    @pl.when(pl.program_id(0) == 0)
    def _():
        hg_ref[...] = jnp.zeros_like(hg_ref)

    nd = lax.rsqrt(jnp.maximum(din_ref[0][:, :1], 1.0))
    z = (p0_ref[0] + p1_ref[0]) * nd + b0_ref[...]
    a = alpha_ref[0, 0]
    h = jnp.where(z >= 0, z, a * z)
    hg_ref[...] += jnp.sum(h, axis=0, keepdims=True)
    ns = lax.rsqrt(jnp.maximum(dout_ref[0][:, :1], 1.0))
    x1_ref[...] = jnp.dot(h, w1_ref[...],
                          preferred_element_type=jnp.float32) * ns


@jax.jit
def _mid_call(p, deg2d, b0, alpha, W1):
    return pl.pallas_call(
        _mid_body,
        grid=(N // BN,),
        in_specs=[
            pl.BlockSpec((1, BN, D), lambda i: (0, i, 0)),
            pl.BlockSpec((1, BN, D), lambda i: (1, i, 0)),
            pl.BlockSpec((1, BN, D), lambda i: (1, i, 0)),
            pl.BlockSpec((1, BN, D), lambda i: (0, i, 0)),
            pl.BlockSpec((1, D), lambda i: (0, 0)),
            pl.BlockSpec((1, 1), lambda i: (0, 0)),
            pl.BlockSpec((D, D), lambda i: (0, 0)),
        ],
        out_specs=[
            pl.BlockSpec((BN, D), lambda i: (i, 0)),
            pl.BlockSpec((1, D), lambda i: (0, 0)),
        ],
        out_shape=[
            jax.ShapeDtypeStruct((N, D), jnp.float32),
            jax.ShapeDtypeStruct((1, D), jnp.float32),
        ],
    )(p, p, deg2d, deg2d, b0, alpha, W1)


def _out_body(q0_ref, q1_ref, din_ref, b1_ref, alpha_ref, h2_ref, hg_ref):
    @pl.when(pl.program_id(0) == 0)
    def _():
        hg_ref[...] = jnp.zeros_like(hg_ref)

    nd = lax.rsqrt(jnp.maximum(din_ref[0][:, :1], 1.0))
    z = (q0_ref[0] + q1_ref[0]) * nd + b1_ref[...]
    a = alpha_ref[0, 0]
    h = jnp.where(z >= 0, z, a * z)
    h2_ref[...] = h
    hg_ref[...] += jnp.sum(h, axis=0, keepdims=True)


@jax.jit
def _out_call(q, deg2d, b1, alpha):
    return pl.pallas_call(
        _out_body,
        grid=(N // BN,),
        in_specs=[
            pl.BlockSpec((1, BN, D), lambda i: (0, i, 0)),
            pl.BlockSpec((1, BN, D), lambda i: (1, i, 0)),
            pl.BlockSpec((1, BN, D), lambda i: (1, i, 0)),
            pl.BlockSpec((1, D), lambda i: (0, 0)),
            pl.BlockSpec((1, 1), lambda i: (0, 0)),
        ],
        out_specs=[
            pl.BlockSpec((BN, D), lambda i: (i, 0)),
            pl.BlockSpec((1, D), lambda i: (0, 0)),
        ],
        out_shape=[
            jax.ShapeDtypeStruct((N, D), jnp.float32),
            jax.ShapeDtypeStruct((1, D), jnp.float32),
        ],
    )(q, q, deg2d, b1, alpha)


def kernel(feat, edge_index, W0, b0, W1, b1, alpha):
    ei2d = edge_index.reshape(2 * (E // CH), CH)
    parts = _degree_call(ei2d)
    deg2d = _norm_call(parts)
    y0 = _y0_call(feat, W0)
    x0 = _scale_call(y0, deg2d)
    p = _agg_call(x0, ei2d)
    x1, hg0 = _mid_call(p, deg2d, b0.reshape(1, D), alpha.reshape(1, 1), W1)
    q = _agg_call(x1, ei2d)
    h2, hg1 = _out_call(q, deg2d, b1.reshape(1, D), alpha.reshape(1, 1))
    hg = jnp.concatenate((hg0, hg1), axis=-1)
    return (h2, hg)

# --- scband reference (transcript-rebuilt; emitter-appended) ---
"""Pipeline reference for scband-gcn-66941360276307 (READ-ONLY COPY).

The authoritative reference and input builder live on the scoring server;
editing this copy changes nothing except your own understanding.
"""

import jax, jax.numpy as jnp
import numpy as np

N = 10000
E = 320000
D = 128


def setup_inputs(seed: int = 0) -> dict:
    key = jax.random.key(seed)
    k1, k2, k3, k4, k5, k6 = jax.random.split(key, 6)
    feat = jax.random.normal(k1, (N, D), dtype=jnp.float32)
    edge_index = jax.random.randint(k2, (2, E), 0, N, dtype=jnp.int32)
    scale = 1.0 / np.sqrt(D)
    W0 = jax.random.normal(k3, (D, D), dtype=jnp.float32) * scale
    b0 = jnp.zeros((D,), dtype=jnp.float32)
    W1 = jax.random.normal(k4, (D, D), dtype=jnp.float32) * scale
    b1 = jnp.zeros((D,), dtype=jnp.float32)
    alpha = jnp.array(0.25, dtype=jnp.float32)
    return {"feat": feat, "edge_index": edge_index, "W0": W0, "b0": b0, "W1": W1, "b1": b1, "alpha": alpha}


def _prelu(x, alpha):
    return jnp.where(x >= 0, x, alpha * x)


def _graph_conv(h, src, dst, norm_src, norm_dst, W, b):
    # DGL GraphConv with norm='both': D_out^{-1/2} on src feats, sum-aggregate, D_in^{-1/2} on dst, then linear
    h = h * norm_src[:, None]
    msgs = h[src]
    agg = jnp.zeros_like(h).at[dst].add(msgs)
    agg = agg * norm_dst[:, None]
    return agg @ W + b


def reference(feat, edge_index, W0, b0, W1, b1, alpha):
    src = edge_index[0]
    dst = edge_index[1]
    n = feat.shape[0]
    ones = jnp.ones((src.shape[0],), dtype=jnp.float32)
    deg_out = jax.ops.segment_sum(ones, src, num_segments=n)
    deg_in = jax.ops.segment_sum(ones, dst, num_segments=n)
    norm_src = jnp.power(jnp.clip(deg_out, 1.0, None), -0.5)
    norm_dst = jnp.power(jnp.clip(deg_in, 1.0, None), -0.5)
    h = _prelu(_graph_conv(feat, src, dst, norm_src, norm_dst, W0, b0), alpha)
    hg = jnp.sum(h, axis=0, keepdims=True)
    h = _prelu(_graph_conv(h, src, dst, norm_src, norm_dst, W1, b1), alpha)
    hg = jnp.concatenate((hg, jnp.sum(h, axis=0, keepdims=True)), axis=-1)
    return (h, hg)

if __name__ == "__main__":
    import jax
    _d = setup_inputs()
    print(jax.jit(kernel)(*tuple(_d.values())))

</pallas_src>

<mosaic_0001>
#map = affine_map<(d0, d1) -> (0, 0)>
module attributes {stable_mosaic.version = 14 : i64} {
  func.func @_degree_body(%arg0: i32, %arg1: i32, %arg2: memref<8000x80xi32, #tpu.memory_space<hbm>>, %arg3: memref<64x10240xf32, #tpu.memory_space<hbm>>, %arg4: memref<125x80xi32, #tpu.memory_space<vmem>>, %arg5: memref<125x80xi32, #tpu.memory_space<vmem>>, %arg6: memref<10240xf32, #tpu.memory_space<vmem>>, %arg7: memref<10240xf32, #tpu.memory_space<vmem>>, %arg8: memref<!tpu.dma_semaphore, #tpu.memory_space<semaphore_mem>>) attributes {dimension_semantics = [#tpu.dimension_semantics<core_parallel>, #tpu.dimension_semantics<subcore_parallel>], iteration_bounds = array<i64: 2, 16>, scalar_prefetch = 0 : i64, scratch_operands = 5 : i64, tpu.core_type = #tpu.core_type<sc_vector_subcore>, window_params = [{transform_indices = #map}, {transform_indices = #map}]} {
    %mul3A = arith.constant 16 : i32
    %mul3A_0 = arith.muli %arg0, %mul3A : i32
    %add3A = arith.addi %mul3A_0, %arg1 : i32
    %broadcast_in_dim3A = arith.constant 1.000000e+00 : f32
    %broadcast_in_dim3A_1 = vector.broadcast %broadcast_in_dim3A : f32 to vector<16xf32>
    %broadcast_in_dim3A_2 = arith.constant 0.000000e+00 : f32
    %broadcast_in_dim3A_3 = vector.broadcast %broadcast_in_dim3A_2 : f32 to vector<16xf32>
    %mul3A_4 = arith.constant 125 : i32
    %mul3A_5 = arith.muli %add3A, %mul3A_4 : i32
    %dma_start3A = arith.constant 0 : i32
    %dma_start3A_6 = tpu.memref_slice %arg2[%mul3A_5, %dma_start3A] : memref<8000x80xi32, #tpu.memory_space<hbm>> -> memref<125x80xi32, #tpu.memory_space<hbm>>
    %dma_start3A_7 = arith.constant 0 : i32
    %dma_start3A_8 = tpu.memref_slice %arg2[%mul3A_5, %dma_start3A_7] : memref<8000x80xi32, #tpu.memory_space<hbm>> -> memref<125x80xi32, #tpu.memory_space<hbm>>
    tpu.enqueue_dma source(%dma_start3A_8 : memref<125x80xi32, #tpu.memory_space<hbm>>) target(%arg4 : memref<125x80xi32, #tpu.memory_space<vmem>>) target_semaphore(%arg8 : memref<!tpu.dma_semaphore, #tpu.memory_space<semaphore_mem>>)
    %mul3A_9 = arith.constant 125 : i32
    %mul3A_10 = arith.muli %add3A, %mul3A_9 : i32
    %add3A_11 = arith.constant 4000 : i32
    %add3A_12 = arith.addi %add3A_11, %mul3A_10 : i32
    %dma_start3A_13 = arith.constant 0 : i32
    %dma_start3A_14 = tpu.memref_slice %arg2[%add3A_12, %dma_start3A_13] : memref<8000x80xi32, #tpu.memory_space<hbm>> -> memref<125x80xi32, #tpu.memory_space<hbm>>
    %dma_start3A_15 = arith.constant 0 : i32
    %dma_start3A_16 = tpu.memref_slice %arg2[%add3A_12, %dma_start3A_15] : memref<8000x80xi32, #tpu.memory_space<hbm>> -> memref<125x80xi32, #tpu.memory_space<hbm>>
    tpu.enqueue_dma source(%dma_start3A_16 : memref<125x80xi32, #tpu.memory_space<hbm>>) target(%arg5 : memref<125x80xi32, #tpu.memory_space<vmem>>) target_semaphore(%arg8 : memref<!tpu.dma_semaphore, #tpu.memory_space<semaphore_mem>>)
    %scan3A = arith.constant 0 : i32
    %scan3A_17 = arith.constant 0 : i32
    %scan3A_18 = arith.constant 640 : i32
    %scan3A_19 = arith.addi %scan3A_17, %scan3A_18 : i32
    %scan3A_20 = arith.constant 1 : i32
    scf.for %scan3A_43 = %scan3A_17 to %scan3A_19 step %scan3A_20  : i32 {
      %mul3A_44 = arith.constant 16 : i32
      %mul3A_45 = arith.muli %scan3A_43, %mul3A_44 : i32
      %swap3A = arith.index_cast %mul3A_45 : i32 to index
      %swap3A_46 = tpu.vector_load %arg6[%swap3A] {strides = array<i32>} : memref<10240xf32, #tpu.memory_space<vmem>>, vector<16xf32>,
      tpu.vector_store %arg6[%swap3A], %broadcast_in_dim3A_3 {strides = array<i32>} : memref<10240xf32, #tpu.memory_space<vmem>>, vector<16xf32>,
      %mul3A_47 = arith.constant 16 : i32
      %mul3A_48 = arith.muli %scan3A_43, %mul3A_47 : i32
      %swap3A_49 = arith.index_cast %mul3A_48 : i32 to index
      %swap3A_50 = tpu.vector_load %arg7[%swap3A_49] {strides = array<i32>} : memref<10240xf32, #tpu.memory_space<vmem>>, vector<16xf32>,
      tpu.vector_store %arg7[%swap3A_49], %broadcast_in_dim3A_3 {strides = array<i32>} : memref<10240xf32, #tpu.memory_space<vmem>>, vector<16xf32>,
    }
    %scan3A_21 = arith.constant 640 : i32
    %mul3A_22 = arith.constant 125 : i32
    %mul3A_23 = arith.muli %add3A, %mul3A_22 : i32
    %dma_wait3A = arith.constant 0 : i32
    %dma_wait3A_24 = tpu.memref_slice %arg2[%mul3A_23, %dma_wait3A] : memref<8000x80xi32, #tpu.memory_space<hbm>> -> memref<125x80xi32, #tpu.memory_space<hbm>>
    %dma_wait3A_25 = arith.constant 0 : i32
    %dma_wait3A_26 = tpu.memref_slice %arg2[%mul3A_23, %dma_wait3A_25] : memref<8000x80xi32, #tpu.memory_space<hbm>> -> memref<125x80xi32, #tpu.memory_space<hbm>>
    tpu.wait_dma2 semaphore(%arg8 : memref<!tpu.dma_semaphore, #tpu.memory_space<semaphore_mem>>) src(%dma_wait3A_26 : memref<125x80xi32, #tpu.memory_space<hbm>>) dst(%arg4 : memref<125x80xi32, #tpu.memory_space<vmem>>)
    %mul3A_27 = arith.constant 125 : i32
    %mul3A_28 = arith.muli %add3A, %mul3A_27 : i32
    %add3A_29 = arith.constant 4000 : i32
    %add3A_30 = arith.addi %add3A_29, %mul3A_28 : i32
    %dma_wait3A_31 = arith.constant 0 : i32
    %dma_wait3A_32 = tpu.memref_slice %arg2[%add3A_30, %dma_wait3A_31] : memref<8000x80xi32, #tpu.memory_space<hbm>> -> memref<125x80xi32, #tpu.memory_space<hbm>>
    %dma_wait3A_33 = arith.constant 0 : i32
    %dma_wait3A_34 = tpu.memref_slice %arg2[%add3A_30, %dma_wait3A_33] : memref<8000x80xi32, #tpu.memory_space<hbm>> -> memref<125x80xi32, #tpu.memory_space<hbm>>
    tpu.wait_dma2 semaphore(%arg8 : memref<!tpu.dma_semaphore, #tpu.memory_space<semaphore_mem>>) src(%dma_wait3A_34 : memref<125x80xi32, #tpu.memory_space<hbm>>) dst(%arg5 : memref<125x80xi32, #tpu.memory_space<vmem>>)
    %scan3A_35 = arith.constant 0 : i32
    %scan3A_36 = arith.constant 0 : i32
    %scan3A_37 = arith.constant 625 : i32
    %scan3A_38 = arith.addi %scan3A_36, %scan3A_37 : i32
    %scan3A_39 = arith.constant 1 : i32
    scf.for %scan3A_43 = %scan3A_36 to %scan3A_38 step %scan3A_39  : i32 {
      %jit3A = arith.constant 5 : i32
      %div3A = arith.divsi %scan3A_43, %jit3A : i32
      %sign3A = arith.constant 0 : i32
      %sign3A_44 = arith.cmpi sgt, %scan3A_43, %sign3A : i32
      %sign3A_45 = arith.extui %sign3A_44 : i1 to i32
      %sign3A_46 = arith.constant 0 : i32
      %sign3A_47 = arith.cmpi slt, %scan3A_43, %sign3A_46 : i32
      %sign3A_48 = arith.extui %sign3A_47 : i1 to i32
      %sign3A_49 = arith.subi %sign3A_45, %sign3A_48 : i32
      %sign3A_50 = arith.constant 0 : i32
      %sign3A_51 = arith.cmpi sgt, %jit3A, %sign3A_50 : i32
      %sign3A_52 = arith.extui %sign3A_51 : i1 to i32
      %sign3A_53 = arith.constant 0 : i32
      %sign3A_54 = arith.cmpi slt, %jit3A, %sign3A_53 : i32
      %sign3A_55 = arith.extui %sign3A_54 : i1 to i32
      %sign3A_56 = arith.subi %sign3A_52, %sign3A_55 : i32
      %ne3A = arith.cmpi ne, %sign3A_49, %sign3A_56 : i32
      %rem3A = arith.remsi %scan3A_43, %jit3A : i32
      %ne3A_57 = arith.constant 0 : i32
      %ne3A_58 = arith.cmpi ne, %rem3A, %ne3A_57 : i32
      %and3A = arith.andi %ne3A, %ne3A_58 : i1
      %sub3A = arith.constant 1 : i32
      %sub3A_59 = arith.subi %div3A, %sub3A : i32
      %select_n3A = arith.select %and3A, %sub3A_59, %div3A : i32
      %jit3A_60 = arith.constant 5 : i32
      %eq3A = arith.constant 0 : i32
      %eq3A_61 = arith.cmpi eq, %jit3A_60, %eq3A : i32
      %jit3A_62 = arith.constant 1 : i32
      %select_n3A_63 = arith.select %eq3A_61, %jit3A_62, %jit3A_60 : i32
      %rem3A_64 = arith.remsi %scan3A_43, %select_n3A_63 : i32
      %ne3A_65 = arith.constant 0 : i32
      %ne3A_66 = arith.cmpi ne, %rem3A_64, %ne3A_65 : i32
      %lt3A = arith.constant 0 : i32
      %lt3A_67 = arith.cmpi slt, %rem3A_64, %lt3A : i32
      %lt3A_68 = arith.constant 0 : i32
      %lt3A_69 = arith.cmpi slt, %select_n3A_63, %lt3A_68 : i32
      %ne3A_70 = arith.xori %lt3A_67, %lt3A_69 : i1
      %and3A_71 = arith.andi %ne3A_70, %ne3A_66 : i1
      %add3A_72 = arith.addi %rem3A_64, %select_n3A_63 : i32
      %select_n3A_73 = arith.select %and3A_71, %add3A_72, %rem3A_64 : i32
      %mul3A_74 = arith.constant 16 : i32
      %mul3A_75 = arith.muli %select_n3A_73, %mul3A_74 : i32
      %get3A = arith.index_cast %select_n3A : i32 to index
      %get3A_76 = arith.index_cast %mul3A_75 : i32 to index
      %get3A_77 = tpu.vector_load %arg4[%get3A, %get3A_76] {strides = array<i32>} : memref<125x80xi32, #tpu.memory_space<vmem>>, vector<16xi32>,
      tpu.vector_store_idx %arg6[%get3A_77], %broadcast_in_dim3A_1 {add = true} : memref<10240xf32, #tpu.memory_space<vmem>>[vector<16xi32>], vector<16xf32>,
      %mul3A_78 = arith.constant 16 : i32
      %mul3A_79 = arith.muli %select_n3A_73, %mul3A_78 : i32
      %get3A_80 = arith.index_cast %select_n3A : i32 to index
      %get3A_81 = arith.index_cast %mul3A_79 : i32 to index
      %get3A_82 = tpu.vector_load %arg5[%get3A_80, %get3A_81] {strides = array<i32>} : memref<125x80xi32, #tpu.memory_space<vmem>>, vector<16xi32>,
      tpu.vector_store_idx %arg7[%get3A_82], %broadcast_in_dim3A_1 {add = true} : memref<10240xf32, #tpu.memory_space<vmem>>[vector<16xi32>], vector<16xf32>,
    }
    %scan3A_40 = arith.constant 625 : i32
    "tpu.region"() ({
      %run_scoped3A = tpu.sem_alloc : memref<!tpu.dma_semaphore, #tpu.memory_space<semaphore_mem>>
      %dma_start3A_43 = arith.constant 0 : i32
      %dma_start3A_44 = tpu.memref_slice %arg3[%add3A, %dma_start3A_43] : memref<64x10240xf32, #tpu.memory_space<hbm>> -> memref<1x10240xf32, #tpu.memory_space<hbm>>
      %dma_start3A_45 = tpu.memref_squeeze %dma_start3A_44 : memref<1x10240xf32, #tpu.memory_space<hbm>> -> memref<10240xf32, #tpu.memory_space<hbm>>
      %dma_start3A_46 = arith.constant 0 : i32
      %dma_start3A_47 = tpu.memref_slice %arg3[%add3A, %dma_start3A_46] : memref<64x10240xf32, #tpu.memory_space<hbm>> -> memref<1x10240xf32, #tpu.memory_space<hbm>>
      %dma_start3A_48 = tpu.memref_squeeze %dma_start3A_47 : memref<1x10240xf32, #tpu.memory_space<hbm>> -> memref<10240xf32, #tpu.memory_space<hbm>>
      tpu.enqueue_dma source(%arg6 : memref<10240xf32, #tpu.memory_space<vmem>>) target(%dma_start3A_48 : memref<10240xf32, #tpu.memory_space<hbm>>) target_semaphore(%run_scoped3A : memref<!tpu.dma_semaphore, #tpu.memory_space<semaphore_mem>>)
      %dma_wait3A_49 = arith.constant 0 : i32
      %dma_wait3A_50 = tpu.memref_slice %arg3[%add3A, %dma_wait3A_49] : memref<64x10240xf32, #tpu.memory_space<hbm>> -> memref<1x10240xf32, #tpu.memory_space<hbm>>
      %dma_wait3A_51 = tpu.memref_squeeze %dma_wait3A_50 : memref<1x10240xf32, #tpu.memory_space<hbm>> -> memref<10240xf32, #tpu.memory_space<hbm>>
      %dma_wait3A_52 = arith.constant 0 : i32
      %dma_wait3A_53 = tpu.memref_slice %arg3[%add3A, %dma_wait3A_52] : memref<64x10240xf32, #tpu.memory_space<hbm>> -> memref<1x10240xf32, #tpu.memory_space<hbm>>
      %dma_wait3A_54 = tpu.memref_squeeze %dma_wait3A_53 : memref<1x10240xf32, #tpu.memory_space<hbm>> -> memref<10240xf32, #tpu.memory_space<hbm>>
      tpu.wait_dma2 semaphore(%run_scoped3A : memref<!tpu.dma_semaphore, #tpu.memory_space<semaphore_mem>>) src(%arg6 : memref<10240xf32, #tpu.memory_space<vmem>>) dst(%dma_wait3A_54 : memref<10240xf32, #tpu.memory_space<hbm>>)
      tpu.yield
    }) : () -> ()
    %add3A_41 = arith.constant 32 : i32
    %add3A_42 = arith.addi %add3A_41, %add3A : i32
    "tpu.region"() ({
      %run_scoped3A = tpu.sem_alloc : memref<!tpu.dma_semaphore, #tpu.memory_space<semaphore_mem>>
      %dma_start3A_43 = arith.constant 0 : i32
      %dma_start3A_44 = tpu.memref_slice %arg3[%add3A_42, %dma_start3A_43] : memref<64x10240xf32, #tpu.memory_space<hbm>> -> memref<1x10240xf32, #tpu.memory_space<hbm>>
      %dma_start3A_45 = tpu.memref_squeeze %dma_start3A_44 : memref<1x10240xf32, #tpu.memory_space<hbm>> -> memref<10240xf32, #tpu.memory_space<hbm>>
      %dma_start3A_46 = arith.constant 0 : i32
      %dma_start3A_47 = tpu.memref_slice %arg3[%add3A_42, %dma_start3A_46] : memref<64x10240xf32, #tpu.memory_space<hbm>> -> memref<1x10240xf32, #tpu.memory_space<hbm>>
      %dma_start3A_48 = tpu.memref_squeeze %dma_start3A_47 : memref<1x10240xf32, #tpu.memory_space<hbm>> -> memref<10240xf32, #tpu.memory_space<hbm>>
      tpu.enqueue_dma source(%arg7 : memref<10240xf32, #tpu.memory_space<vmem>>) target(%dma_start3A_48 : memref<10240xf32, #tpu.memory_space<hbm>>) target_semaphore(%run_scoped3A : memref<!tpu.dma_semaphore, #tpu.memory_space<semaphore_mem>>)
      %dma_wait3A_49 = arith.constant 0 : i32
      %dma_wait3A_50 = tpu.memref_slice %arg3[%add3A_42, %dma_wait3A_49] : memref<64x10240xf32, #tpu.memory_space<hbm>> -> memref<1x10240xf32, #tpu.memory_space<hbm>>
      %dma_wait3A_51 = tpu.memref_squeeze %dma_wait3A_50 : memref<1x10240xf32, #tpu.memory_space<hbm>> -> memref<10240xf32, #tpu.memory_space<hbm>>
      %dma_wait3A_52 = arith.constant 0 : i32
      %dma_wait3A_53 = tpu.memref_slice %arg3[%add3A_42, %dma_wait3A_52] : memref<64x10240xf32, #tpu.memory_space<hbm>> -> memref<1x10240xf32, #tpu.memory_space<hbm>>
      %dma_wait3A_54 = tpu.memref_squeeze %dma_wait3A_53 : memref<1x10240xf32, #tpu.memory_space<hbm>> -> memref<10240xf32, #tpu.memory_space<hbm>>
      tpu.wait_dma2 semaphore(%run_scoped3A : memref<!tpu.dma_semaphore, #tpu.memory_space<semaphore_mem>>) src(%arg7 : memref<10240xf32, #tpu.memory_space<vmem>>) dst(%dma_wait3A_54 : memref<10240xf32, #tpu.memory_space<hbm>>)
      tpu.yield
    }) : () -> ()
    return
  }
}

</mosaic_0001>

<sc_bundles>
// kernel: _degree_call.3.cloned.1.call-start
scs
__scs_entry_jumppad:
0x0: {  	(pc) =	sbr.rel $0x88, $3  }
0x1: {  	(tag) =	ssettag $0x0;
	lr =	simm.s32 $0x1  }
0x2: {  	[smem:$0x3FA0] =	sst lr;
	_ =	strace $0xD0000000  }
0x3: {  	_ = 	snop  }
0x4: {  	_ = 	snop  }
0x5: {  	_ = 	snop  }
0x6: {  	_ = 	snop  }
0x7: {  	_ = 	snop  }
__scs_overlays_trampoline_lowered:
0x8: {  	[smem:$0x3FAF] =	sst s0  }
0x9: {  	[smem:$0x3FB0] =	sst s1  }
0xa: {  	[smem:$0x3FB1] =	sst s2  }
0xb: {  	[smem:$0x3FB2] =	sst s3  }
0xc: {  	[smem:$0x3FB3] =	sst s4  }
0xd: {  	[smem:$0x3FB4] =	sst s5  }
0xe: {  	[smem:$0x3FB5] =	sst s6  }
0xf: {  	[smem:$0x3FB6] =	sst s7  }
0x10: {  	[smem:$0x3FB7] =	sst s8  }
0x11: {  	[smem:$0x3FB8] =	sst s9;
	s0 =	simm.s32 @!p0 $0x0  }
0x12: {  	s1 =	sld [smem:$0x3F9E];
	s0 =	simm.s32 @p0 $0x1  }
0x13: {  	[smem:$0x3FB9] =	sst s0;
	s0 =	simm.s32 @!p1 $0x0  }
0x14: {  	s2 =	sld [smem:$0x3F9D];
	s0 =	simm.s32 @p1 $0x1  }
0x15: {  	[smem:$0x3FBA] =	sst s0;
	s0 =	simm.s32 @!p2 $0x0  }
0x16: {  	s3 =	sld [smem:$0x3FDB];
	s0 =	simm.s32 @p2 $0x1  }
0x17: {  	s4 =	simm.s32 $0x1BF5;
	[smem:$0x3FBC] =	sst s0  }
0x18: {  	s0 =	sld [smem:$0x3F9F];
	_ =	swait.ge [sflag:s4], $0x0  }
0x19: {  	s7 =	sld [smem:$0x3FA0]  }
0x1a: {  	s8 =	sadd.s32 $0xFFFFE003, lr  }
0x1b: {  	s9 =	sadd.s32 $0xFFFFFEF7, lr;
	s5 =	simm.s32 $0xFFFFFFFF;
	p2 =	slt.u32 s8, $0xFFFFF086  }
0x1c: {  	p1 =	slt.u32 s9, $0xF7A;
	s5 =	simm.s32 @!p2 $0x0  }
0x1d: {  	s5 =	simm.s32 @p1 $0x1;
	p0 =	seq.s32 s7, s2  }
0x1e: {  	s7 =	smul.u32 @!p0 $0xF7A, s2;
	p2 =	seq.s32 @!p0 s5, $0x0  }
0x1f: {  	s9 =	smul.u32 $0xF7A, s1;
	s8 =	simm.s32 @!p0 $0x1BF5;
	p2 =	por !p2, p0  }
0x20: {  	[sflag:s8] =	ssyncset.s32 @!p0 $0xFFFFF086;
	s6 =	sadd.s32 @!p0 s3, s7;
	s7 =	simm.s32 @!p0 $0x108  }
0x21: {  	s3 =	sadd.s32 s3, s9;
	s6 =	sadd.s32 @!p0 $0x88, s6;
	s7 =	simm.s32 @p2 $0x1082  }
0x22: {  	[simem:s7], [sflag:s8] =	dma.local @!p0 [hbm:s6], $0xF7A  }
0x23: {  	s9 =	sor.u32 $0xD0000000, s2;
	s6 =	simm.s32 $0x108;
	_ =	swait.ge @!p0 [sflag:s8], $0x0  }
0x24: {  	s3 =	sadd.s32 $0x88, s3;
	s6 =	simm.s32 @!p1 $0x1082;
	[sflag:s4] =	ssyncset.s32 $0xFFFFF086  }
0x25: {  	[simem:s6], [sflag:s4] =	dma.local [hbm:s3], $0xF7A  }
0x26: {  	[smem:$0x3FA0] =	sst s1;
	(tag) =	ssettag s2;
	_ =	strace s9  }
0x27: {  	s1 =	sld [smem:$0x3FB0]  }
0x28: {  	s2 =	sld [smem:$0x3FB1]  }
0x29: {  	s4 =	sld [smem:$0x3FB3]  }
0x2a: {  	p0 =	seq.s32 s5, $0x0;
	s5 =	sld [smem:$0x3FB4]  }
0x2b: {  	s6 =	sld [smem:$0x3FB5]  }
0x2c: {  	s7 =	sld [smem:$0x3FB6]  }
0x2d: {  	s3 =	simm.s32 $0x108;
	s8 =	sld [smem:$0x3FB7]  }
0x2e: {  	s3 =	simm.s32 @!p0 $0x1082;
	s9 =	sld [smem:$0x3FB8]  }
0x2f: {  	lr =	sadd.s32 s0, s3;
	s0 =	sld [smem:$0x3FAF]  }
0x30: {  	s3 =	sld [smem:$0x3FB2]  }
0x31: {  	[smem:$0x3FBB] =	sst s10  }
0x32: {  	s10 =	sld [smem:$0x3FB9];
	_ =	sdelay $0x3  }
0x33: {  	p0 =	seq.s32 s10, $0x1;
	s10 =	sld [smem:$0x3FBB];
	_ =	sdelay $0x3  }
0x34: {  	[smem:$0x3FBB] =	sst s10  }
0x35: {  	s10 =	sld [smem:$0x3FBA];
	_ =	sdelay $0x3  }
0x36: {  	p1 =	seq.s32 s10, $0x1;
	s10 =	sld [smem:$0x3FBB];
	_ =	sdelay $0x3  }
0x37: {  	[smem:$0x3FBB] =	sst s10  }
0x38: {  	s10 =	sld [smem:$0x3FBC]  }
0x39: {  	_ = 	snop;
	(pc) =	sbr.ind lr, $3  }
0x3a: {  	_ = 	snop  }
0x3b: {  	_ = 	snop  }
0x3c: {  	p2 =	seq.s32 s10, $0x1;
	s10 =	sld [smem:$0x3FBB]  }
0x3d: {  	_ =	shalt  }
0x3e: {  	_ =	shalt  }
0x3f: {  	_ =	shalt  }
0x40: {  	_ =	shalt  }
0x41: {  	_ =	shalt  }
0x42: {  	_ =	shalt  }
0x43: {  	_ =	shalt  }
0x44: {  	_ =	shalt  }
0x45: {  	_ =	shalt  }
0x46: {  	_ =	shalt  }
0x47: {  	_ =	shalt  }
0x48: {  	_ =	shalt  }
0x49: {  	_ =	shalt  }
0x4a: {  	_ =	shalt  }
0x4b: {  	_ =	shalt  }
0x4c: {  	_ =	shalt  }
0x4d: {  	_ =	shalt  }
0x4e: {  	_ =	shalt  }
0x4f: {  	_ =	shalt  }
0x50: {  	_ =	shalt  }
0x51: {  	_ =	shalt  }
0x52: {  	_ =	shalt  }
0x53: {  	_ =	shalt  }
0x54: {  	_ =	shalt  }
0x55: {  	_ =	shalt  }
0x56: {  	_ =	shalt  }
0x57: {  	_ =	shalt  }
0x58: {  	_ =	shalt  }
0x59: {  	_ =	shalt  }
0x5a: {  	_ =	shalt  }
0x5b: {  	_ =	shalt  }
0x5c: {  	_ =	shalt  }
0x5d: {  	_ =	shalt  }
0x5e: {  	_ =	shalt  }
0x5f: {  	_ =	shalt  }
0x60: {  	_ =	shalt  }
0x61: {  	_ =	shalt  }
0x62: {  	_ =	shalt  }
0x63: {  	_ =	shalt  }
0x64: {  	_ =	shalt  }
0x65: {  	_ =	shalt  }
0x66: {  	_ =	shalt  }
0x67: {  	_ =	shalt  }
0x68: {  	_ =	shalt  }
0x69: {  	_ =	shalt  }
0x6a: {  	_ =	shalt  }
0x6b: {  	_ =	shalt  }
0x6c: {  	_ =	shalt  }
0x6d: {  	_ =	shalt  }
0x6e: {  	_ =	shalt  }
0x6f: {  	_ =	shalt  }
0x70: {  	_ =	shalt  }
0x71: {  	_ =	shalt  }
0x72: {  	_ =	shalt  }
0x73: {  	_ =	shalt  }
0x74: {  	_ =	shalt  }
0x75: {  	_ =	shalt  }
0x76: {  	_ =	shalt  }
0x77: {  	_ =	shalt  }
0x78: {  	_ =	shalt  }
0x79: {  	_ =	shalt  }
0x7a: {  	_ =	shalt  }
0x7b: {  	_ =	shalt  }
0x7c: {  	_ =	shalt  }
0x7d: {  	_ =	shalt  }
0x7e: {  	_ =	shalt  }
0x7f: {  	_ =	shalt  }
0x80: {  	_ =	shalt  }
0x81: {  	_ =	shalt  }
0x82: {  	_ =	shalt  }
0x83: {  	_ =	shalt  }
0x84: {  	_ =	shalt  }
0x85: {  	_ =	shalt  }
0x86: {  	_ =	shalt  }
0x87: {  	_ =	shalt  }
.Lfunc_end0:
.L_simem_size_0:
called_computation_lowered:
.L_overlay_start_0:
0x88: {  	s2 =	sld [smem:$0x3FD9]  }
0x89: {  	s3 =	sld [smem:$0x3FFE];
	_ =	sdelay $0x1  }
0x8a: {  	s1 =	srdreg.scid  }
0x8b: {  	s0 =	sand.u32 $0x1, s1  }
0x8c: {  	s17 =	sshll.u32 s0, $0xA;
	s2 =	sadd.s32 s3, s2  }
0x8d: {  	s2 =	sadd.s32 s2, s17  }
0x8e: {  	[smem:$0x3FC7] =	sst s2  }
0x8f: {  	_ = 	snop  }
0x90: {  	s2 =	sld [smem:$0x3FD0];
	(tm) =	ssettm $0x1  }
0x91: {  	s18 =	sld [smem:$0x3FFB];
	_ =	sdelay $0x3  }
0x92: {  	_ =	strace s18  }
0x93: {  	s3 =	sld [smem:$0x3FFC];
	_ =	sdelay $0x3  }
0x94: {  	_ =	strace s3  }
0x95: {  	s3 =	sld [smem:$0x3FFD];
	_ =	sdelay $0x3  }
0x96: {  	_ =	strace s3  }
0x97: {  	_ =	strace $0x8FFFFFFF  }
0x98: {  	s19 =	sld [smem:$0x3FDB];
	_ =	sdelay $0x1  }
0x99: {  	s4 =	simm.s32 $_scs_section_size  }
0x9a: {  	s5 =	simm.s32 $_size__tile_overlayer_lowered;
	s6 =	simm.s32 $_tile_overlayer_lowered  }
0x9b: {  	s22 =	simm.s32 $0x1BFF;
	s21 =	sshll.u32 s6, $0x1;
	s3 =	sadd.s32 s4, s19  }
0x9c: {  	s7 =	simm.s32 $0x0;
	s20 =	sshll.u32 s5, $0x1;
	s5 =	sadd.s32 s21, s3  }
0x9d: {  	[timem:s7], [sflag:s22] =	dma.local [hbm:s5], s20  }
0x9e: {  	_ =	swait.ge [sflag:s22], s20  }
0x9f: {  	s4 =	ssub.s32 $0x0, s20;
	[sflag:s22] =	ssyncset.done $0x0  }
0xa0: {  	[sflag:s22] =	ssyncadd.s32 s4;
	_ =	sdelay $0x1  }
0xa1: {  	s23 =	simm.s32 $0x1B8B  }
0xa2: {  	_ =	swait.ge [sflag:s23], $0x1  }
0xa3: {  	[sflag:s23] =	ssyncset.done $0x0  }
0xa4: {  	s25 =	simm.s32 $0x1B8E;
	s24 =	sld [smem:$0x3FFE];
	[sflag:s23] =	ssyncadd.s32 $0xFFFFFFFF  }
0xa5: {  	s26 =	simm.s32 $execute0_lowered;
	[smem:$0x3FD2] =	sst s25  }
0xa6: {  	s5 =	sshll.u32 s26, $0x1;
	_ =	strace $0x80000046;
	[dreg:$0x1] =	wrdreg $0xFFFFFFFF  }
0xa7: {  	s28 =	simm.s32 $_size_execute0_lowered;
	s3 =	sadd.s32 s3, s5;
	[dreg:$0x0] =	wrdreg $0x0  }
0xa8: {  	s5 =	sshll.u32 s28, $0x1;
	[dreg:$0x2] =	wrdreg s3  }
0xa9: {  	[dreg:$0x3] =	wrdreg s5  }
0xaa: {  	[dreg:$0x4] =	wrdreg $0xC0  }
0xab: {  	_ =	task [dreg:s7], $0x5FFFF  }
0xac: {  	[dreg:$0x1] =	wrdreg $0xFFFFFFFF  }
0xad: {  	[dreg:$0x0] =	wrdreg $0x60  }
0xae: {  	[dreg:$0x2] =	wrdreg s2  }
0xaf: {  	[dreg:$0x3] =	wrdreg s24  }
0xb0: {  	[dreg:$0x4] =	wrdreg $0x9  }
0xb1: {  	_ =	task.clear_ibuf [dreg:s7], $0x5FFFF;
	_ =	strace $0x90000046  }
0xb2: {  	s29 =	simm.s32 $0x9;
	_ =	strace $0x80000048  }
0xb3: {  	_ =	swait.ge [sflag:s29], $0x1  }
0xb4: {  	[sflag:s29] =	ssyncadd.s32 $0xFFFFFFFF  }
0xb5: {  	_ =	strace $0x90000048  }
0xb6: {  	_ =	sfence  }
0xb7: {  	s30 =	sld [smem:$0x0];
	_ =	sdelay $0x2  }
0xb8: {  	s31 =	sshll.u32 s1, $0xD;
	s1 =	sshrl.u32 s1, $0x2  }
0xb9: {  	s3 =	sand.u32 $0x4000, s31;
	s1 =	sadd.s32 s1, s30  }
0xba: {  	s0 =	sor.u32 s3, s0;
	s1 =	sshll.u32 s1, $0x11  }
0xbb: {  	s0 =	sor.u32 s1, s0  }
0xbc: {  	s0 =	sadd.s32 $0x8F2B, s0  }
0xbd: {  	[sflag:s0] =	ssyncadd.remote.s32 $0x1  }
0xbe: {  	_ =	sfence.sel $0xFFFF  }
0xbf: {  	[dreg:$0x0] =	wrdreg $0xFFFFFFFF;
	(pc) =	sbr.abs _section_cstart, $3  }
0xc0: {  	[dreg:$0x1] =	wrdreg $0xFFFFFFFF  }
0xc1: {  	_ =	task.clear_ibuf [dreg:s7], $0x2FFFF;
	_ =	strace $0x9FFFFFFF  }
0xc2: {  	(tm) =	ssettm $0x7FFFFFFF  }
0xc3: {  	_ =	shalt  }
tec
execute0_lowered:
.L_overlay_start_1:
0x0: {  	(tag) =	ssettag $0x1  }
0x1: {  	s3 =	rddreg [dreg:$0x0];
	s1 =	srdreg.scid  }
0x2: {  	s4 =	rddreg [dreg:$0x1];
	s5 =	sand.u32 $0x1, s1  }
0x3: {  	s0 =	rddreg [dreg:$0x2];
	s1 =	stileid.u32;
	s6 =	sshll.u32 s5, $0x4  }
0x4: {  	s2 =	simm.s32 $0x0;
	s11 =	simm.s32 $0x7620;
	s6 =	sor.u32 s1, s6  }
0x5: {  	s12 =	simm.s32 $0x2;
	s13 =	simm.s32 $0x0;
	s7 =	smul.u32 $0x2710, s6  }
0x6: {  	[smem:$0x7FF] =	sst s2;
	s5 =	ssub.s32 $0x2, s5;
	s9 =	smul.u32 $0x2800, s6  }
0x7: {  	s8 =	sadd.s32 $0x400, s4;
	s28 =	sshrl.u32 s5, $0x1;
	s29 =	smul.u32 $0x4E2, s6  }
0x8: {  	_ =	strace $0x80000047;
	s10 =	ssub.s32 s5, s28;
	s6 =	smul.u32 $0x500, s6  }
0x9: {  	s30 =	sshrl.u32 s7, $0x3;
	s31 =	sshrl.u32 s9, $0x3;
	s9 =	simm.s32 $0x1  }
0xa: {  	s5 =	sadd.s32 s3, s30;
	s3 =	sadd.s32 s3, s29;
	s7 =	sadd.s32 s8, s31  }
0xb: {  	s4 =	sadd.s32 $0x9C40, s5;
	s5 =	sadd.s32 s8, s6;
	s6 =	sadd.s32 $0xA000, s7  }
0xc: {  	v0 =	vimm.f32 $0.0e+00;
	v1 =	vimm.f32 $1.000000000e+00;
	s7 =	smax.u32 s10, $0x1;
	s8 =	simm.s32 $0x2710;
	s10 =	simm.s32 $0x4E20  }
.LBB2_1:
0xd: {  	[tilespmem:s2], [sflag:$0x1] =	stream.linear.gather [hbm4b:s3+s2], $0x2710, $0x38;
	[tilespmem:$0x9E20] =	vst v63  }
0xe: {  	s14 =	simm.s32 $0x40;
	s15 =	simm.s32 $0x0  }
0xf: {  	[tilespmem:s8], [sflag:$0x1] =	stream.linear.gather [hbm4b:s4+s2], $0x2710, $0x38;
	[tilespmem:$0x9E20] =	vst v63  }
.LBB2_2:
0x10: {  	p0 =	sne.s32 s14, $0x9FC0;
	[tilespmem:s15+$0x4E20] =	vst v0;
	s16 =	smov.u32 s14;
	s14 =	sadd.s32 $0x40, s14  }
.Ltmp0:
0x11: {  	[tilespmem:s15+$0x7620] =	vst v0;
	(pc) =	sbr.rel @p0 .LBB2_2-.Ltmp0, $2  }
0x12: {  	_ =	sdelay $0x2  }
0x13: {  	s15 =	sshra.s32 s16, $0x2  }
0x14: {  	s14 =	simm.s32 $0x0  }
0x15: {  	s14 =	smul.u32 $0xCCCD, s14  }
0x16: {  	[tilespmem:s15+$0x4E20] =	vst v0  }
0x17: {  	[tilespmem:s15+$0x7620] =	vst v0;
	s14 =	sshrl.u32 s14, $0x12  }
0x18: {  	_ =	swait.ge [sflag:s9], $0x2710;
	s31 =	smul.u32 $0x5, s14  }
0x19: {  	[sflag:s9] =	ssyncset.done $0x0  }
0x1a: {  	[sflag:s9] =	ssyncadd.s32 $0xFFFFD8F0;
	s14 =	smul.u32 $0x50, s14;
	s15 =	ssub.s32 $0x0, s31  }
0x1b: {  	_ =	swait.ge [sflag:s9], $0x2710;
	s15 =	sshll.u32 s15, $0x4  }
0x1c: {  	[sflag:s9] =	ssyncset.done $0x0;
	s14 =	sadd.s32 s15, s14  }
0x1d: {  	[sflag:s9] =	ssyncadd.s32 $0xFFFFD8F0;
	s17 =	sand.u32 $0xFFF0, s14  }
0x1e: {  	v2 =	vld [tilespmem:s17+$0x0];
	_ =	sdelay $0x7  }
0x1f: {  	s14 =	simm.s32 $0x1;
	[tilespmem:v2+s10+$0x0] =	vst.idx.add.f32.msk $0xffff, v1  }
0x20: {  	s15 =	simm.s32 $0x2;
	s16 =	smul.u32 $0xCCCD, s14;
	v2 =	vld [tilespmem:s17+$0x2710]  }
.LBB2_4:
0x21: {  	p0 =	sne.s32 s15, $0x270  }
0x22: {  	s16 =	sshrl.u32 s16, $0x12  }
0x23: {  	s17 =	smul.u32 $0x5, s16;
	_ =	sdelay $0x1  }
0x24: {  	s16 =	smul.u32 $0x50, s16;
	s17 =	ssub.s32 s14, s17;
	s14 =	smov.u32 s15  }
0x25: {  	s17 =	sshll.u32 s17, $0x4  }
0x26: {  	s16 =	sadd.s32 s17, s16  }
0x27: {  	s17 =	sand.u32 $0xFFF0, s16;
	[tilespmem:v2+s11+$0x0] =	vst.idx.add.f32.msk $0xffff, v1  }
0x28: {  	v2 =	vld [tilespmem:s17+$0x0];
	_ =	sdelay $0x4  }
.Ltmp1:
0x29: {  	(pc) =	sbr.rel @p0 .LBB2_4-.Ltmp1, $3  }
0x2a: {  	_ =	sdelay $0x1  }
0x2b: {  	[tilespmem:v2+s10+$0x0] =	vst.idx.add.f32.msk $0xffff, v1  }
0x2c: {  	s15 =	sadd.s32 $0x1, s15;
	s16 =	smul.u32 $0xCCCD, s14;
	v2 =	vld [tilespmem:s17+$0x2710]  }
0x2d: {  	_ =	sdelay $0x1  }
0x2e: {  	s15 =	sshrl.u32 s16, $0x12  }
0x2f: {  	s16 =	smul.u32 $0x5, s15;
	_ =	sdelay $0x1  }
0x30: {  	s15 =	smul.u32 $0x50, s15;
	s14 =	ssub.s32 s14, s16  }
0x31: {  	s14 =	sshll.u32 s14, $0x4  }
0x32: {  	s14 =	sadd.s32 s14, s15  }
0x33: {  	[tilespmem:v2+s11+$0x0] =	vst.idx.add.f32.msk $0xffff, v1;
	s14 =	sand.u32 $0xFFF0, s14  }
0x34: {  	v2 =	vld [tilespmem:s14+$0x0];
	_ =	sdelay $0x7  }
0x35: {  	[tilespmem:v2+s10+$0x0] =	vst.idx.add.f32.msk $0xffff, v1  }
0x36: {  	v2 =	vld [tilespmem:s14+$0x2710];
	_ =	sdelay $0x7  }
0x37: {  	[tilespmem:v2+s11+$0x0] =	vst.idx.add.f32.msk $0xffff, v1  }
0x38: {  	[hbm4b:s5+s2] =	stream.linear.scatter [tilespmem:s10], [sflag:$0x2], $0x2800, $0x38;
	[tilespmem:$0x9E20] =	vst v63  }
0x39: {  	s13 =	sadd.s32 $0x1, s13;
	_ =	swait.ge [sflag:s12], $0x2800  }
0x3a: {  	p0 =	sne.s32 s13, s7;
	[sflag:s12] =	ssyncset.done $0x0  }
.Ltmp2:
0x3b: {  	[sflag:s12] =	ssyncadd.s32 $0xFFFFD800;
	(pc) =	sbr.rel @p0 .LBB2_1-.Ltmp2, $4  }
0x3c: {  	[hbm4b:s6+s2] =	stream.linear.scatter [tilespmem:s11], [sflag:$0x2], $0x2800, $0x38;
	[tilespmem:$0x9E20] =	vst v63  }
0x3d: {  	_ =	swait.ge [sflag:s12], $0x2800  }
0x3e: {  	[sflag:s12] =	ssyncset.done $0x0  }
0x3f: {  	[sflag:s12] =	ssyncadd.s32 $0xFFFFD800  }
0x40: {  	_ =	sfence.sel $0x180000  }
0x41: {  	[bflag:$0x0] =	sbarrier.arrive $0xFFFF  }
0x42: {  	p0 =	sne.s32 s1, $0x0;
	_ =	strace $0x90000047  }
0x43: {  	s0 =	sadd.s32 @!p0 $0x100000, s0;
	[bflag:$0x2] =	sbarrier.arrive $0xFFFF  }
0x44: {  	[sflag:s0] =	ssyncadd.tile.s32 @!p0 $0x1;
	_ =	shalt  }
.Lfunc_end2:
_tile_overlayer_lowered:
.L_overlay_start_2:
0x45: {  	(tag) =	ssettag $0x2  }
0x46: {  	s0 =	rddreg [dreg:$0x0];
	s2 =	stileid.u32  }
0x47: {  	s1 =	rddreg [dreg:$0x1];
	p0 =	sne.s32 s2, $0x0  }
0x48: {  	s3 =	rddreg [dreg:$0x2];
	[bflag:$0x3] =	sbarrier.arrive $0xFFFF;
	s2 =	simm.s32 @!p0 $0x1C02  }
0x49: {  	[timem:s3], [sflag:s2] =	dma.local @!p0 [hbm:s0], s1  }
0x4a: {  	s0 =	simm.s32 @!p0 $0x2  }
0x4b: {  	_ =	swait.ge @!p0 [sflag:s0], s1  }
0x4c: {  	s1 =	ssub.s32 @!p0 $0x0, s1;
	[sflag:s0] =	ssyncset.done @!p0 $0x0  }
0x4d: {  	[sflag:s0] =	ssyncadd.s32 @!p0 s1  }
0x4e: {  	[bflag:$0x3] =	sbarrier.arrive $0xFFFF  }
0x4f: {  	_ =	shalt  }

</sc_bundles>
